<compile_context>
chip_gen: v7x
topology: tpu7x:2x2x1
jax: 0.10.2.dev20260603
libtpu: 0.0.44.dev20260713+nightly
codegen_flags: <defaults>
</compile_context>

<pallas_src>
import functools

import jax
import jax.numpy as jnp
from jax import lax
from jax.experimental import pallas as pl
from jax.experimental.pallas import tpu as pltpu
from jax.experimental.pallas import tpu_sc as plsc

B = 4096
D_IN = 768
D_H = 128
D_Z = 256
K = 8192

B_BLK = 512
NB = B // B_BLK


def _encode_kernel(x_ref, w1_ref, b1_ref, w2_ref, b2_ref, cb_ref,
                   idx_ref, cbn_ref):
    @pl.when(pl.program_id(0) == 0)
    def _():
        cb = cb_ref[...]
        cbn_ref[...] = jnp.sum(cb * cb, axis=1)[None, :]

    x = x_ref[...]
    h = lax.dot_general(x, w1_ref[...], (((1,), (1,)), ((), ())),
                        preferred_element_type=jnp.float32)
    h = jnp.maximum(h + b1_ref[...], 0.0)
    z = lax.dot_general(h, w2_ref[...], (((1,), (1,)), ((), ())),
                        preferred_element_type=jnp.float32)
    z = z + b2_ref[...]
    a2 = jnp.sum(z * z, axis=1, keepdims=True)
    zm2 = z * -2.0
    ab = lax.dot_general(zm2, cb_ref[...], (((1,), (1,)), ((), ())),
                         preferred_element_type=jnp.float32)
    d2 = (a2 + cbn_ref[...]) + ab
    idx_ref[...] = jnp.argmin(d2, axis=1).astype(jnp.int32)


_encode = pl.pallas_call(
    _encode_kernel,
    grid=(NB,),
    in_specs=[
        pl.BlockSpec((B_BLK, D_IN), lambda i: (i, 0)),
        pl.BlockSpec((D_H, D_IN), lambda i: (0, 0)),
        pl.BlockSpec((1, D_H), lambda i: (0, 0)),
        pl.BlockSpec((D_Z, D_H), lambda i: (0, 0)),
        pl.BlockSpec((1, D_Z), lambda i: (0, 0)),
        pl.BlockSpec((K, D_Z), lambda i: (0, 0)),
    ],
    out_specs=pl.BlockSpec((B_BLK,), lambda i: (i,)),
    out_shape=jax.ShapeDtypeStruct((B,), jnp.int32),
    scratch_shapes=[pltpu.VMEM((1, K), jnp.float32)],
)

_NC = 2
_NS = 16
_NW = _NC * _NS
B_PER_W = B // _NW

D_HALF = D_Z // _NC
B_PER_S = B // _NS
K_PER_S = K // _NS


@functools.lru_cache(maxsize=1)
def _make_sc_gather():
    mesh = plsc.VectorSubcoreMesh(core_axis_name="c", subcore_axis_name="s",
                                  num_cores=_NC, num_subcores=_NS)

    @functools.partial(
        pl.kernel,
        mesh=mesh,
        out_type=jax.ShapeDtypeStruct((B, D_Z), jnp.float32),
        scratch_types=[
            pltpu.VMEM((B_PER_S,), jnp.int32),
            pltpu.VMEM((B_PER_S, D_HALF), jnp.float32),
            pltpu.VMEM_SHARED((K, D_HALF), jnp.float32),
            pltpu.SemaphoreType.DMA,
            pltpu.SemaphoreType.DMA,
        ],
    )
    def _sc_gather(cb_hbm, idx_hbm, out_hbm, idx_v, rows_v, spmem, sem,
                   sem_wb):
        c = lax.axis_index("c")
        s = lax.axis_index("s")
        col = c * D_HALF
        base = s * B_PER_S
        idx_cp = pltpu.async_copy(idx_hbm.at[pl.ds(base, B_PER_S)], idx_v,
                                  sem)
        pltpu.sync_copy(cb_hbm.at[pl.ds(s * K_PER_S, K_PER_S),
                                  pl.ds(col, D_HALF)],
                        spmem.at[pl.ds(s * K_PER_S, K_PER_S)])
        idx_cp.wait()
        plsc.subcore_barrier()
        half = B_PER_S // 2
        pltpu.async_copy(spmem.at[idx_v.at[pl.ds(0, half)]],
                         rows_v.at[pl.ds(0, half)], sem).wait()
        wb0 = pltpu.async_copy(
            rows_v.at[pl.ds(0, half)],
            out_hbm.at[pl.ds(base, half), pl.ds(col, D_HALF)], sem_wb)
        pltpu.async_copy(spmem.at[idx_v.at[pl.ds(half, half)]],
                         rows_v.at[pl.ds(half, half)], sem).wait()
        wb1 = pltpu.async_copy(
            rows_v.at[pl.ds(half, half)],
            out_hbm.at[pl.ds(base + half, half), pl.ds(col, D_HALF)], sem_wb)
        wb0.wait()
        wb1.wait()

    return _sc_gather


def kernel(x, W1, b1, W2, b2, codebook):
    indices = _encode(x, W1, b1.reshape(1, D_H), W2, b2.reshape(1, D_Z),
                      codebook)
    z_q = _make_sc_gather()(codebook, indices)
    return (z_q, indices)

# --- scband reference (transcript-rebuilt; emitter-appended) ---
"""Pipeline reference for scband-encoder-19713899888647 (READ-ONLY COPY).

The authoritative reference and input builder live on the scoring server;
editing this copy changes nothing except your own understanding.
"""

import jax, jax.numpy as jnp
import numpy as np

STATE_DIM = 768
LATENT_DIM = 256
CODEBOOK_SIZE = 8192
BATCH = 4096


def setup_inputs(seed: int = 0) -> dict:
    key = jax.random.key(seed)
    k_x, k_w1, k_b1, k_w2, k_b2, k_cb = jax.random.split(key, 6)
    x = jax.random.normal(k_x, (BATCH, STATE_DIM), dtype=jnp.float32)
    # nn.Linear(state_dim, 128)
    lim1 = 1.0 / np.sqrt(STATE_DIM)
    W1 = jax.random.uniform(k_w1, (128, STATE_DIM), minval=-lim1, maxval=lim1, dtype=jnp.float32)
    b1 = jax.random.uniform(k_b1, (128,), minval=-lim1, maxval=lim1, dtype=jnp.float32)
    # nn.Linear(128, latent_dim)
    lim2 = 1.0 / np.sqrt(128)
    W2 = jax.random.uniform(k_w2, (LATENT_DIM, 128), minval=-lim2, maxval=lim2, dtype=jnp.float32)
    b2 = jax.random.uniform(k_b2, (LATENT_DIM,), minval=-lim2, maxval=lim2, dtype=jnp.float32)
    # nn.Embedding(codebook_size, latent_dim) ~ N(0,1)
    codebook = jax.random.normal(k_cb, (CODEBOOK_SIZE, LATENT_DIM), dtype=jnp.float32)
    return {"x": x, "W1": W1, "b1": b1, "W2": W2, "b2": b2, "codebook": codebook}


def _cdist(a, b):
    # Euclidean distance matrix, memory-efficient expansion of torch.cdist (p=2)
    a2 = jnp.sum(a * a, axis=-1, keepdims=True)          # [B, 1]
    b2 = jnp.sum(b * b, axis=-1, keepdims=True).T        # [1, K]
    d2 = a2 + b2 - 2.0 * (a @ b.T)                       # [B, K]
    return jnp.sqrt(jnp.maximum(d2, 0.0))


def reference(x, W1, b1, W2, b2, codebook):
    # fc: Linear -> ReLU -> Linear
    h = jnp.maximum(x @ W1.T + b1, 0.0)
    z_e = h @ W2.T + b2                                  # [B, latent_dim]
    distances = _cdist(z_e, codebook)                    # [B, K]
    indices = jnp.argmin(distances, axis=-1)             # [B]
    z_q = jnp.take(codebook, indices, axis=0)            # embedding lookup
    # straight-through estimator
    z_q = z_e + jax.lax.stop_gradient(z_q - z_e)
    return (z_q, indices)

if __name__ == "__main__":
    import jax
    _d = setup_inputs()
    print(jax.jit(kernel)(*tuple(_d.values())))

</pallas_src>

<mosaic_0001>
#map = affine_map<(d0, d1) -> (0, 0)>
#map1 = affine_map<(d0, d1) -> (0)>
module attributes {stable_mosaic.version = 14 : i64} {
  func.func @_sc_gather(%arg0: i32, %arg1: i32, %arg2: memref<8192x256xf32, #tpu.memory_space<hbm>>, %arg3: memref<4096xi32, #tpu.memory_space<hbm>>, %arg4: memref<4096x256xf32, #tpu.memory_space<hbm>>, %arg5: memref<256xi32, #tpu.memory_space<vmem>>, %arg6: memref<256x128xf32, #tpu.memory_space<vmem>>, %arg7: memref<8192x128xf32, #tpu.memory_space<vmem_shared>>, %arg8: memref<!tpu.dma_semaphore, #tpu.memory_space<semaphore_mem>>, %arg9: memref<!tpu.dma_semaphore, #tpu.memory_space<semaphore_mem>>) attributes {dimension_semantics = [#tpu.dimension_semantics<core_parallel>, #tpu.dimension_semantics<subcore_parallel>], iteration_bounds = array<i64: 2, 16>, scalar_prefetch = 0 : i64, scratch_operands = 5 : i64, tpu.core_type = #tpu.core_type<sc_vector_subcore>, window_params = [{transform_indices = #map}, {transform_indices = #map1}, {transform_indices = #map}]} {
    %mul3A = arith.constant 128 : i32
    %mul3A_0 = arith.muli %arg0, %mul3A : i32
    %mul3A_1 = arith.constant 256 : i32
    %mul3A_2 = arith.muli %arg1, %mul3A_1 : i32
    %dma_start3A = tpu.memref_slice %arg3[%mul3A_2] : memref<4096xi32, #tpu.memory_space<hbm>> -> memref<256xi32, #tpu.memory_space<hbm>>
    %dma_start3A_3 = tpu.memref_slice %arg3[%mul3A_2] : memref<4096xi32, #tpu.memory_space<hbm>> -> memref<256xi32, #tpu.memory_space<hbm>>
    tpu.enqueue_dma source(%dma_start3A_3 : memref<256xi32, #tpu.memory_space<hbm>>) target(%arg5 : memref<256xi32, #tpu.memory_space<vmem>>) target_semaphore(%arg8 : memref<!tpu.dma_semaphore, #tpu.memory_space<semaphore_mem>>)
    %mul3A_4 = arith.constant 512 : i32
    %mul3A_5 = arith.muli %arg1, %mul3A_4 : i32
    %mul3A_6 = arith.constant 512 : i32
    %mul3A_7 = arith.muli %arg1, %mul3A_6 : i32
    "tpu.region"() ({
      %run_scoped3A = tpu.sem_alloc : memref<!tpu.dma_semaphore, #tpu.memory_space<semaphore_mem>>
      %dma_start3A_74 = arith.constant 0 : i32
      %dma_start3A_75 = tpu.memref_slice %arg7[%mul3A_7, %dma_start3A_74] : memref<8192x128xf32, #tpu.memory_space<vmem_shared>> -> memref<512x128xf32, #tpu.memory_space<vmem_shared>>
      %dma_start3A_76 = tpu.memref_slice %arg2[%mul3A_5, %mul3A_0] : memref<8192x256xf32, #tpu.memory_space<hbm>> -> memref<512x128xf32, #tpu.memory_space<hbm>>
      tpu.enqueue_dma source(%dma_start3A_76 : memref<512x128xf32, #tpu.memory_space<hbm>>) target(%dma_start3A_75 : memref<512x128xf32, #tpu.memory_space<vmem_shared>>) target_semaphore(%run_scoped3A : memref<!tpu.dma_semaphore, #tpu.memory_space<semaphore_mem>>)
      %dma_wait3A_77 = arith.constant 0 : i32
      %dma_wait3A_78 = tpu.memref_slice %arg7[%mul3A_7, %dma_wait3A_77] : memref<8192x128xf32, #tpu.memory_space<vmem_shared>> -> memref<512x128xf32, #tpu.memory_space<vmem_shared>>
      %dma_wait3A_79 = tpu.memref_slice %arg2[%mul3A_5, %mul3A_0] : memref<8192x256xf32, #tpu.memory_space<hbm>> -> memref<512x128xf32, #tpu.memory_space<hbm>>
      tpu.wait_dma2 semaphore(%run_scoped3A : memref<!tpu.dma_semaphore, #tpu.memory_space<semaphore_mem>>) src(%dma_wait3A_79 : memref<512x128xf32, #tpu.memory_space<hbm>>) dst(%dma_wait3A_78 : memref<512x128xf32, #tpu.memory_space<vmem_shared>>)
      tpu.yield
    }) : () -> ()
    %dma_wait3A = tpu.memref_slice %arg3[%mul3A_2] : memref<4096xi32, #tpu.memory_space<hbm>> -> memref<256xi32, #tpu.memory_space<hbm>>
    %dma_wait3A_8 = tpu.memref_slice %arg3[%mul3A_2] : memref<4096xi32, #tpu.memory_space<hbm>> -> memref<256xi32, #tpu.memory_space<hbm>>
    tpu.wait_dma2 semaphore(%arg8 : memref<!tpu.dma_semaphore, #tpu.memory_space<semaphore_mem>>) src(%dma_wait3A_8 : memref<256xi32, #tpu.memory_space<hbm>>) dst(%arg5 : memref<256xi32, #tpu.memory_space<vmem>>)
    %barrier3A = arith.constant 0 : index
    tpu.barrier barrier_id(%barrier3A)
    %dma_start3A_9 = arith.constant 0 : i32
    %dma_start3A_10 = arith.constant 0 : i32
    %dma_start3A_11 = tpu.memref_slice %arg6[%dma_start3A_9, %dma_start3A_10] : memref<256x128xf32, #tpu.memory_space<vmem>> -> memref<128x128xf32, #tpu.memory_space<vmem>>
    %dma_start3A_12 = arith.constant 0 : i32
    %dma_start3A_13 = tpu.memref_slice %arg5[%dma_start3A_12] : memref<256xi32, #tpu.memory_space<vmem>> -> memref<128xi32, #tpu.memory_space<vmem>>
    %dma_start3A_14 = arith.constant 0 : i32
    %dma_start3A_15 = arith.constant 0 : i32
    %dma_start3A_16 = tpu.memref_slice %arg7[%dma_start3A_14, %dma_start3A_15] : memref<8192x128xf32, #tpu.memory_space<vmem_shared>> -> memref<8192x128xf32, #tpu.memory_space<vmem_shared>>
    tpu.enqueue_indirect_dma source(%dma_start3A_16 : memref<8192x128xf32, #tpu.memory_space<vmem_shared>>) target(%dma_start3A_11 : memref<128x128xf32, #tpu.memory_space<vmem>>) offsets(%dma_start3A_13 : memref<128xi32, #tpu.memory_space<vmem>>) semaphore(%arg8 : memref<!tpu.dma_semaphore, #tpu.memory_space<semaphore_mem>>)
    %dma_wait3A_17 = arith.constant 0 : i32
    %dma_wait3A_18 = arith.constant 0 : i32
    %dma_wait3A_19 = tpu.memref_slice %arg6[%dma_wait3A_17, %dma_wait3A_18] : memref<256x128xf32, #tpu.memory_space<vmem>> -> memref<128x128xf32, #tpu.memory_space<vmem>>
    %dma_wait3A_20 = arith.constant 0 : i32
    %dma_wait3A_21 = tpu.memref_slice %arg5[%dma_wait3A_20] : memref<256xi32, #tpu.memory_space<vmem>> -> memref<128xi32, #tpu.memory_space<vmem>>
    %dma_wait3A_22 = arith.constant 0 : i32
    %dma_wait3A_23 = arith.constant 0 : i32
    %dma_wait3A_24 = tpu.memref_slice %arg7[%dma_wait3A_22, %dma_wait3A_23] : memref<8192x128xf32, #tpu.memory_space<vmem_shared>> -> memref<8192x128xf32, #tpu.memory_space<vmem_shared>>
    tpu.wait_indirect_dma semaphore(%arg8 : memref<!tpu.dma_semaphore, #tpu.memory_space<semaphore_mem>>) src(%dma_wait3A_24 : memref<8192x128xf32, #tpu.memory_space<vmem_shared>>) dst(%dma_wait3A_19 : memref<128x128xf32, #tpu.memory_space<vmem>>)
    %dma_start3A_25 = arith.constant 0 : i32
    %dma_start3A_26 = arith.constant 0 : i32
    %dma_start3A_27 = tpu.memref_slice %arg6[%dma_start3A_25, %dma_start3A_26] : memref<256x128xf32, #tpu.memory_space<vmem>> -> memref<128x128xf32, #tpu.memory_space<vmem>>
    %dma_start3A_28 = tpu.memref_slice %arg4[%mul3A_2, %mul3A_0] : memref<4096x256xf32, #tpu.memory_space<hbm>> -> memref<128x128xf32, #tpu.memory_space<hbm>>
    %dma_start3A_29 = tpu.memref_slice %arg4[%mul3A_2, %mul3A_0] : memref<4096x256xf32, #tpu.memory_space<hbm>> -> memref<128x128xf32, #tpu.memory_space<hbm>>
    %dma_start3A_30 = arith.constant 0 : i32
    %dma_start3A_31 = arith.constant 0 : i32
    %dma_start3A_32 = tpu.memref_slice %arg6[%dma_start3A_30, %dma_start3A_31] : memref<256x128xf32, #tpu.memory_space<vmem>> -> memref<128x128xf32, #tpu.memory_space<vmem>>
    tpu.enqueue_dma source(%dma_start3A_32 : memref<128x128xf32, #tpu.memory_space<vmem>>) target(%dma_start3A_29 : memref<128x128xf32, #tpu.memory_space<hbm>>) target_semaphore(%arg9 : memref<!tpu.dma_semaphore, #tpu.memory_space<semaphore_mem>>)
    %dma_start3A_33 = arith.constant 128 : i32
    %dma_start3A_34 = arith.constant 0 : i32
    %dma_start3A_35 = tpu.memref_slice %arg6[%dma_start3A_33, %dma_start3A_34] : memref<256x128xf32, #tpu.memory_space<vmem>> -> memref<128x128xf32, #tpu.memory_space<vmem>>
    %dma_start3A_36 = arith.constant 128 : i32
    %dma_start3A_37 = tpu.memref_slice %arg5[%dma_start3A_36] : memref<256xi32, #tpu.memory_space<vmem>> -> memref<128xi32, #tpu.memory_space<vmem>>
    %dma_start3A_38 = arith.constant 0 : i32
    %dma_start3A_39 = arith.constant 0 : i32
    %dma_start3A_40 = tpu.memref_slice %arg7[%dma_start3A_38, %dma_start3A_39] : memref<8192x128xf32, #tpu.memory_space<vmem_shared>> -> memref<8192x128xf32, #tpu.memory_space<vmem_shared>>
    tpu.enqueue_indirect_dma source(%dma_start3A_40 : memref<8192x128xf32, #tpu.memory_space<vmem_shared>>) target(%dma_start3A_35 : memref<128x128xf32, #tpu.memory_space<vmem>>) offsets(%dma_start3A_37 : memref<128xi32, #tpu.memory_space<vmem>>) semaphore(%arg8 : memref<!tpu.dma_semaphore, #tpu.memory_space<semaphore_mem>>)
    %dma_wait3A_41 = arith.constant 128 : i32
    %dma_wait3A_42 = arith.constant 0 : i32
    %dma_wait3A_43 = tpu.memref_slice %arg6[%dma_wait3A_41, %dma_wait3A_42] : memref<256x128xf32, #tpu.memory_space<vmem>> -> memref<128x128xf32, #tpu.memory_space<vmem>>
    %dma_wait3A_44 = arith.constant 128 : i32
    %dma_wait3A_45 = tpu.memref_slice %arg5[%dma_wait3A_44] : memref<256xi32, #tpu.memory_space<vmem>> -> memref<128xi32, #tpu.memory_space<vmem>>
    %dma_wait3A_46 = arith.constant 0 : i32
    %dma_wait3A_47 = arith.constant 0 : i32
    %dma_wait3A_48 = tpu.memref_slice %arg7[%dma_wait3A_46, %dma_wait3A_47] : memref<8192x128xf32, #tpu.memory_space<vmem_shared>> -> memref<8192x128xf32, #tpu.memory_space<vmem_shared>>
    tpu.wait_indirect_dma semaphore(%arg8 : memref<!tpu.dma_semaphore, #tpu.memory_space<semaphore_mem>>) src(%dma_wait3A_48 : memref<8192x128xf32, #tpu.memory_space<vmem_shared>>) dst(%dma_wait3A_43 : memref<128x128xf32, #tpu.memory_space<vmem>>)
    %add3A = arith.constant 128 : i32
    %add3A_49 = arith.addi %mul3A_2, %add3A : i32
    %dma_start3A_50 = arith.constant 128 : i32
    %dma_start3A_51 = arith.constant 0 : i32
    %dma_start3A_52 = tpu.memref_slice %arg6[%dma_start3A_50, %dma_start3A_51] : memref<256x128xf32, #tpu.memory_space<vmem>> -> memref<128x128xf32, #tpu.memory_space<vmem>>
    %dma_start3A_53 = tpu.memref_slice %arg4[%add3A_49, %mul3A_0] : memref<4096x256xf32, #tpu.memory_space<hbm>> -> memref<128x128xf32, #tpu.memory_space<hbm>>
    %dma_start3A_54 = tpu.memref_slice %arg4[%add3A_49, %mul3A_0] : memref<4096x256xf32, #tpu.memory_space<hbm>> -> memref<128x128xf32, #tpu.memory_space<hbm>>
    %dma_start3A_55 = arith.constant 128 : i32
    %dma_start3A_56 = arith.constant 0 : i32
    %dma_start3A_57 = tpu.memref_slice %arg6[%dma_start3A_55, %dma_start3A_56] : memref<256x128xf32, #tpu.memory_space<vmem>> -> memref<128x128xf32, #tpu.memory_space<vmem>>
    tpu.enqueue_dma source(%dma_start3A_57 : memref<128x128xf32, #tpu.memory_space<vmem>>) target(%dma_start3A_54 : memref<128x128xf32, #tpu.memory_space<hbm>>) target_semaphore(%arg9 : memref<!tpu.dma_semaphore, #tpu.memory_space<semaphore_mem>>)
    %dma_wait3A_58 = arith.constant 0 : i32
    %dma_wait3A_59 = arith.constant 0 : i32
    %dma_wait3A_60 = tpu.memref_slice %arg6[%dma_wait3A_58, %dma_wait3A_59] : memref<256x128xf32, #tpu.memory_space<vmem>> -> memref<128x128xf32, #tpu.memory_space<vmem>>
    %dma_wait3A_61 = tpu.memref_slice %arg4[%mul3A_2, %mul3A_0] : memref<4096x256xf32, #tpu.memory_space<hbm>> -> memref<128x128xf32, #tpu.memory_space<hbm>>
    %dma_wait3A_62 = tpu.memref_slice %arg4[%mul3A_2, %mul3A_0] : memref<4096x256xf32, #tpu.memory_space<hbm>> -> memref<128x128xf32, #tpu.memory_space<hbm>>
    %dma_wait3A_63 = arith.constant 0 : i32
    %dma_wait3A_64 = arith.constant 0 : i32
    %dma_wait3A_65 = tpu.memref_slice %arg6[%dma_wait3A_63, %dma_wait3A_64] : memref<256x128xf32, #tpu.memory_space<vmem>> -> memref<128x128xf32, #tpu.memory_space<vmem>>
    tpu.wait_dma2 semaphore(%arg9 : memref<!tpu.dma_semaphore, #tpu.memory_space<semaphore_mem>>) src(%dma_wait3A_65 : memref<128x128xf32, #tpu.memory_space<vmem>>) dst(%dma_wait3A_62 : memref<128x128xf32, #tpu.memory_space<hbm>>)
    %dma_wait3A_66 = arith.constant 128 : i32
    %dma_wait3A_67 = arith.constant 0 : i32
    %dma_wait3A_68 = tpu.memref_slice %arg6[%dma_wait3A_66, %dma_wait3A_67] : memref<256x128xf32, #tpu.memory_space<vmem>> -> memref<128x128xf32, #tpu.memory_space<vmem>>
    %dma_wait3A_69 = tpu.memref_slice %arg4[%add3A_49, %mul3A_0] : memref<4096x256xf32, #tpu.memory_space<hbm>> -> memref<128x128xf32, #tpu.memory_space<hbm>>
    %dma_wait3A_70 = tpu.memref_slice %arg4[%add3A_49, %mul3A_0] : memref<4096x256xf32, #tpu.memory_space<hbm>> -> memref<128x128xf32, #tpu.memory_space<hbm>>
    %dma_wait3A_71 = arith.constant 128 : i32
    %dma_wait3A_72 = arith.constant 0 : i32
    %dma_wait3A_73 = tpu.memref_slice %arg6[%dma_wait3A_71, %dma_wait3A_72] : memref<256x128xf32, #tpu.memory_space<vmem>> -> memref<128x128xf32, #tpu.memory_space<vmem>>
    tpu.wait_dma2 semaphore(%arg9 : memref<!tpu.dma_semaphore, #tpu.memory_space<semaphore_mem>>) src(%dma_wait3A_73 : memref<128x128xf32, #tpu.memory_space<vmem>>) dst(%dma_wait3A_70 : memref<128x128xf32, #tpu.memory_space<hbm>>)
    return
  }
}

module attributes {stable_mosaic.version = 14 : i64} {
  func.func @_encode_kernel(%arg0: i32, %arg1: memref<512x768xf32, #tpu.memory_space<vmem>>, %arg2: memref<128x768xf32, #tpu.memory_space<vmem>>, %arg3: memref<1x128xf32, #tpu.memory_space<vmem>>, %arg4: memref<256x128xf32, #tpu.memory_space<vmem>>, %arg5: memref<1x256xf32, #tpu.memory_space<vmem>>, %arg6: memref<8192x256xf32, #tpu.memory_space<vmem>>, %arg7: memref<512xi32, #tpu.memory_space<vmem>>, %arg8: memref<1x8192xf32, #tpu.memory_space<vmem>>) attributes {dimension_semantics = [#tpu.dimension_semantics<arbitrary>], iteration_bounds = array<i64: 8>, scalar_prefetch = 0 : i64, scratch_operands = 1 : i64, tpu.core_type = #tpu.core_type<tc>, window_params = [{transform_indices = @transform_0, window_bounds = array<i64: 512, 768>}, {pipeline_mode = #tpu.pipeline_mode<synchronous>, transform_indices = @transform_1, window_bounds = array<i64: 128, 768>}, {pipeline_mode = #tpu.pipeline_mode<synchronous>, transform_indices = @transform_2, window_bounds = array<i64: 1, 128>}, {pipeline_mode = #tpu.pipeline_mode<synchronous>, transform_indices = @transform_3, window_bounds = array<i64: 256, 128>}, {pipeline_mode = #tpu.pipeline_mode<synchronous>, transform_indices = @transform_4, window_bounds = array<i64: 1, 256>}, {pipeline_mode = #tpu.pipeline_mode<synchronous>, transform_indices = @transform_5, window_bounds = array<i64: 8192, 256>}, {transform_indices = @transform_6, window_bounds = array<i64: 512>}]} {
    %eq3A = arith.constant 0 : i32
    %eq3A_0 = arith.cmpi eq, %arg0, %eq3A : i32
    %convert_element_type3A = arith.extui %eq3A_0 : i1 to i32
    %cond3A = arith.constant 0 : i32
    %cond3A_1 = arith.cmpi ne, %convert_element_type3A, %cond3A : i32
    scf.if %cond3A_1 {
      %get3A_41 = arith.constant 0 : index
      %get3A_42 = arith.constant 0 : index
      %get3A_43 = vector.load %arg6[%get3A_41, %get3A_42] : memref<8192x256xf32, #tpu.memory_space<vmem>>, vector<8192x256xf32>
      %mul3A_44 = arith.mulf %get3A_43, %get3A_43 : vector<8192x256xf32>
      %reduce_sum3A_45 = arith.constant dense<0.000000e+00> : vector<8192xf32>
      %reduce_sum3A_46 = vector.multi_reduction <add>, %mul3A_44, %reduce_sum3A_45 [1] : vector<8192x256xf32> to vector<8192xf32>
      %broadcast_in_dim3A_47 = vector.shape_cast %reduce_sum3A_46 : vector<8192xf32> to vector<1x8192xf32>
      %swap3A_48 = arith.constant 0 : index
      %swap3A_49 = arith.constant 0 : index
      %swap3A_50 = vector.load %arg8[%swap3A_48, %swap3A_49] : memref<1x8192xf32, #tpu.memory_space<vmem>>, vector<1x8192xf32>
      tpu.vector_store %arg8[%swap3A_48, %swap3A_49], %broadcast_in_dim3A_47 {strides = array<i32>} : memref<1x8192xf32, #tpu.memory_space<vmem>>, vector<1x8192xf32>,
    } else {
    }
    %get3A = arith.constant 0 : index
    %get3A_2 = arith.constant 0 : index
    %get3A_3 = vector.load %arg1[%get3A, %get3A_2] : memref<512x768xf32, #tpu.memory_space<vmem>>, vector<512x768xf32>
    %get3A_4 = arith.constant 0 : index
    %get3A_5 = arith.constant 0 : index
    %get3A_6 = vector.load %arg2[%get3A_4, %get3A_5] : memref<128x768xf32, #tpu.memory_space<vmem>>, vector<128x768xf32>
    %dot_general3A = arith.constant dense<0.000000e+00> : vector<512x128xf32>
    %dot_general3A_7 = tpu.matmul %get3A_3, %get3A_6, %dot_general3A {dimension_numbers = #tpu.dot_dimension_numbers<[1], [1], [0], [0], [0, 0, 1, 0], [], []>, transpose_lhs_hint = false} : vector<512x768xf32>, vector<128x768xf32>, vector<512x128xf32> -> vector<512x128xf32>
    %get3A_8 = arith.constant 0 : index
    %get3A_9 = arith.constant 0 : index
    %get3A_10 = vector.load %arg3[%get3A_8, %get3A_9] : memref<1x128xf32, #tpu.memory_space<vmem>>, vector<1x128xf32>
    %add3A = vector.broadcast %get3A_10 : vector<1x128xf32> to vector<512x128xf32>
    %add3A_11 = arith.addf %dot_general3A_7, %add3A : vector<512x128xf32>
    %max3A = arith.constant 0.000000e+00 : f32
    %max3A_12 = vector.broadcast %max3A : f32 to vector<512x128xf32>
    %max3A_13 = arith.maximumf %add3A_11, %max3A_12 : vector<512x128xf32>
    %get3A_14 = arith.constant 0 : index
    %get3A_15 = arith.constant 0 : index
    %get3A_16 = vector.load %arg4[%get3A_14, %get3A_15] : memref<256x128xf32, #tpu.memory_space<vmem>>, vector<256x128xf32>
    %dot_general3A_17 = arith.constant dense<0.000000e+00> : vector<512x256xf32>
    %dot_general3A_18 = tpu.matmul %max3A_13, %get3A_16, %dot_general3A_17 {dimension_numbers = #tpu.dot_dimension_numbers<[1], [1], [0], [0], [0, 0, 1, 0], [], []>, transpose_lhs_hint = false} : vector<512x128xf32>, vector<256x128xf32>, vector<512x256xf32> -> vector<512x256xf32>
    %get3A_19 = arith.constant 0 : index
    %get3A_20 = arith.constant 0 : index
    %get3A_21 = vector.load %arg5[%get3A_19, %get3A_20] : memref<1x256xf32, #tpu.memory_space<vmem>>, vector<1x256xf32>
    %add3A_22 = vector.broadcast %get3A_21 : vector<1x256xf32> to vector<512x256xf32>
    %add3A_23 = arith.addf %dot_general3A_18, %add3A_22 : vector<512x256xf32>
    %mul3A = arith.mulf %add3A_23, %add3A_23 : vector<512x256xf32>
    %reduce_sum3A = arith.constant dense<0.000000e+00> : vector<512xf32>
    %reduce_sum3A_24 = vector.multi_reduction <add>, %mul3A, %reduce_sum3A [1] : vector<512x256xf32> to vector<512xf32>
    %broadcast_in_dim3A = vector.shape_cast %reduce_sum3A_24 : vector<512xf32> to vector<512x1xf32>
    %mul3A_25 = arith.constant -2.000000e+00 : f32
    %mul3A_26 = vector.broadcast %mul3A_25 : f32 to vector<512x256xf32>
    %mul3A_27 = arith.mulf %add3A_23, %mul3A_26 : vector<512x256xf32>
    %get3A_28 = arith.constant 0 : index
    %get3A_29 = arith.constant 0 : index
    %get3A_30 = vector.load %arg6[%get3A_28, %get3A_29] : memref<8192x256xf32, #tpu.memory_space<vmem>>, vector<8192x256xf32>
    %dot_general3A_31 = arith.constant dense<0.000000e+00> : vector<512x8192xf32>
    %dot_general3A_32 = tpu.matmul %mul3A_27, %get3A_30, %dot_general3A_31 {dimension_numbers = #tpu.dot_dimension_numbers<[1], [1], [0], [0], [0, 0, 1, 0], [], []>, transpose_lhs_hint = false} : vector<512x256xf32>, vector<8192x256xf32>, vector<512x8192xf32> -> vector<512x8192xf32>
    %get3A_33 = arith.constant 0 : index
    %get3A_34 = arith.constant 0 : index
    %get3A_35 = vector.load %arg8[%get3A_33, %get3A_34] : memref<1x8192xf32, #tpu.memory_space<vmem>>, vector<1x8192xf32>
    %add3A_36 = vector.broadcast %broadcast_in_dim3A : vector<512x1xf32> to vector<512x8192xf32>
    %add3A_37 = vector.broadcast %get3A_35 : vector<1x8192xf32> to vector<512x8192xf32>
    %add3A_38 = arith.addf %add3A_36, %add3A_37 : vector<512x8192xf32>
    %add3A_39 = arith.addf %add3A_38, %dot_general3A_32 : vector<512x8192xf32>
    %argmin3A = tpu.reduce_index %add3A_39 {axis = 1 : i32, kind = #tpu.reduction_kind<arg_min>} : vector<512x8192xf32> -> vector<512xi32>
    %swap3A = arith.constant 0 : index
    %swap3A_40 = vector.load %arg7[%swap3A] : memref<512xi32, #tpu.memory_space<vmem>>, vector<512xi32>
    tpu.vector_store %arg7[%swap3A], %argmin3A {strides = array<i32>} : memref<512xi32, #tpu.memory_space<vmem>>, vector<512xi32>,
    return
  }
  func.func @transform_0(%arg0: i32) -> (i32, i32) {
    %c0_i32 = arith.constant 0 : i32
    %c0_i32_0 = arith.constant 0 : i32
    return %arg0, %c0_i32 : i32, i32
  }
  func.func @transform_1(%arg0: i32) -> (i32, i32) {
    %c0_i32 = arith.constant 0 : i32
    %c0_i32_0 = arith.constant 0 : i32
    %c0_i32_1 = arith.constant 0 : i32
    return %c0_i32, %c0_i32_0 : i32, i32
  }
  func.func @transform_2(%arg0: i32) -> (i32, i32) {
    %c0_i32 = arith.constant 0 : i32
    %c0_i32_0 = arith.constant 0 : i32
    %c0_i32_1 = arith.constant 0 : i32
    return %c0_i32, %c0_i32_0 : i32, i32
  }
  func.func @transform_3(%arg0: i32) -> (i32, i32) {
    %c0_i32 = arith.constant 0 : i32
    %c0_i32_0 = arith.constant 0 : i32
    %c0_i32_1 = arith.constant 0 : i32
    return %c0_i32, %c0_i32_0 : i32, i32
  }
  func.func @transform_4(%arg0: i32) -> (i32, i32) {
    %c0_i32 = arith.constant 0 : i32
    %c0_i32_0 = arith.constant 0 : i32
    %c0_i32_1 = arith.constant 0 : i32
    return %c0_i32, %c0_i32_0 : i32, i32
  }
  func.func @transform_5(%arg0: i32) -> (i32, i32) {
    %c0_i32 = arith.constant 0 : i32
    %c0_i32_0 = arith.constant 0 : i32
    %c0_i32_1 = arith.constant 0 : i32
    return %c0_i32, %c0_i32_0 : i32, i32
  }
  func.func @transform_6(%arg0: i32) -> i32 {
    %c0_i32 = arith.constant 0 : i32
    return %arg0 : i32
  }
}

</mosaic_0001>

<sc_bundles>
// kernel: kernel.4.cloned.1.call-start
scs
__scs_entry_jumppad:
0x0: {  	(pc) =	sbr.rel $0x88, $3  }
0x1: {  	(tag) =	ssettag $0x0;
	lr =	simm.s32 $0x1  }
0x2: {  	[smem:$0x3F9B] =	sst lr;
	_ =	strace $0xD0000000  }
0x3: {  	_ = 	snop  }
0x4: {  	_ = 	snop  }
0x5: {  	_ = 	snop  }
0x6: {  	_ = 	snop  }
0x7: {  	_ = 	snop  }
__scs_overlays_trampoline_lowered:
0x8: {  	[smem:$0x3FAA] =	sst s0  }
0x9: {  	[smem:$0x3FAB] =	sst s1  }
0xa: {  	[smem:$0x3FAC] =	sst s2  }
0xb: {  	[smem:$0x3FAD] =	sst s3  }
0xc: {  	[smem:$0x3FAE] =	sst s4  }
0xd: {  	[smem:$0x3FAF] =	sst s5  }
0xe: {  	[smem:$0x3FB0] =	sst s6  }
0xf: {  	[smem:$0x3FB1] =	sst s7  }
0x10: {  	[smem:$0x3FB2] =	sst s8  }
0x11: {  	[smem:$0x3FB3] =	sst s9;
	s0 =	simm.s32 @!p0 $0x0  }
0x12: {  	s1 =	sld [smem:$0x3F99];
	s0 =	simm.s32 @p0 $0x1  }
0x13: {  	[smem:$0x3FB4] =	sst s0;
	s0 =	simm.s32 @!p1 $0x0  }
0x14: {  	s2 =	sld [smem:$0x3F98];
	s0 =	simm.s32 @p1 $0x1  }
0x15: {  	[smem:$0x3FB5] =	sst s0;
	s0 =	simm.s32 @!p2 $0x0  }
0x16: {  	s3 =	sld [smem:$0x3FDB];
	s0 =	simm.s32 @p2 $0x1  }
0x17: {  	s4 =	simm.s32 $0x1BF5;
	[smem:$0x3FB7] =	sst s0  }
0x18: {  	s0 =	sld [smem:$0x3F9A];
	_ =	swait.ge [sflag:s4], $0x0  }
0x19: {  	s7 =	sld [smem:$0x3F9B]  }
0x1a: {  	s8 =	sadd.s32 $0xFFFFE003, lr  }
0x1b: {  	s9 =	sadd.s32 $0xFFFFFEF7, lr;
	s5 =	simm.s32 $0xFFFFFFFF;
	p2 =	slt.u32 s8, $0xFFFFF086  }
0x1c: {  	p1 =	slt.u32 s9, $0xF7A;
	s5 =	simm.s32 @!p2 $0x0  }
0x1d: {  	s5 =	simm.s32 @p1 $0x1;
	p0 =	seq.s32 s7, s2  }
0x1e: {  	s7 =	smul.u32 @!p0 $0xF7A, s2;
	p2 =	seq.s32 @!p0 s5, $0x0  }
0x1f: {  	s9 =	smul.u32 $0xF7A, s1;
	s8 =	simm.s32 @!p0 $0x1BF5;
	p2 =	por !p2, p0  }
0x20: {  	[sflag:s8] =	ssyncset.s32 @!p0 $0xFFFFF086;
	s6 =	sadd.s32 @!p0 s3, s7;
	s7 =	simm.s32 @!p0 $0x108  }
0x21: {  	s3 =	sadd.s32 s3, s9;
	s6 =	sadd.s32 @!p0 $0x88, s6;
	s7 =	simm.s32 @p2 $0x1082  }
0x22: {  	[simem:s7], [sflag:s8] =	dma.local @!p0 [hbm:s6], $0xF7A  }
0x23: {  	s9 =	sor.u32 $0xD0000000, s2;
	s6 =	simm.s32 $0x108;
	_ =	swait.ge @!p0 [sflag:s8], $0x0  }
0x24: {  	s3 =	sadd.s32 $0x88, s3;
	s6 =	simm.s32 @!p1 $0x1082;
	[sflag:s4] =	ssyncset.s32 $0xFFFFF086  }
0x25: {  	[simem:s6], [sflag:s4] =	dma.local [hbm:s3], $0xF7A  }
0x26: {  	[smem:$0x3F9B] =	sst s1;
	(tag) =	ssettag s2;
	_ =	strace s9  }
0x27: {  	s1 =	sld [smem:$0x3FAB]  }
0x28: {  	s2 =	sld [smem:$0x3FAC]  }
0x29: {  	s4 =	sld [smem:$0x3FAE]  }
0x2a: {  	p0 =	seq.s32 s5, $0x0;
	s5 =	sld [smem:$0x3FAF]  }
0x2b: {  	s6 =	sld [smem:$0x3FB0]  }
0x2c: {  	s7 =	sld [smem:$0x3FB1]  }
0x2d: {  	s3 =	simm.s32 $0x108;
	s8 =	sld [smem:$0x3FB2]  }
0x2e: {  	s3 =	simm.s32 @!p0 $0x1082;
	s9 =	sld [smem:$0x3FB3]  }
0x2f: {  	lr =	sadd.s32 s0, s3;
	s0 =	sld [smem:$0x3FAA]  }
0x30: {  	s3 =	sld [smem:$0x3FAD]  }
0x31: {  	[smem:$0x3FB6] =	sst s10  }
0x32: {  	s10 =	sld [smem:$0x3FB4];
	_ =	sdelay $0x3  }
0x33: {  	p0 =	seq.s32 s10, $0x1;
	s10 =	sld [smem:$0x3FB6];
	_ =	sdelay $0x3  }
0x34: {  	[smem:$0x3FB6] =	sst s10  }
0x35: {  	s10 =	sld [smem:$0x3FB5];
	_ =	sdelay $0x3  }
0x36: {  	p1 =	seq.s32 s10, $0x1;
	s10 =	sld [smem:$0x3FB6];
	_ =	sdelay $0x3  }
0x37: {  	[smem:$0x3FB6] =	sst s10  }
0x38: {  	s10 =	sld [smem:$0x3FB7]  }
0x39: {  	_ = 	snop;
	(pc) =	sbr.ind lr, $3  }
0x3a: {  	_ = 	snop  }
0x3b: {  	_ = 	snop  }
0x3c: {  	p2 =	seq.s32 s10, $0x1;
	s10 =	sld [smem:$0x3FB6]  }
0x3d: {  	_ =	shalt  }
0x3e: {  	_ =	shalt  }
0x3f: {  	_ =	shalt  }
0x40: {  	_ =	shalt  }
0x41: {  	_ =	shalt  }
0x42: {  	_ =	shalt  }
0x43: {  	_ =	shalt  }
0x44: {  	_ =	shalt  }
0x45: {  	_ =	shalt  }
0x46: {  	_ =	shalt  }
0x47: {  	_ =	shalt  }
0x48: {  	_ =	shalt  }
0x49: {  	_ =	shalt  }
0x4a: {  	_ =	shalt  }
0x4b: {  	_ =	shalt  }
0x4c: {  	_ =	shalt  }
0x4d: {  	_ =	shalt  }
0x4e: {  	_ =	shalt  }
0x4f: {  	_ =	shalt  }
0x50: {  	_ =	shalt  }
0x51: {  	_ =	shalt  }
0x52: {  	_ =	shalt  }
0x53: {  	_ =	shalt  }
0x54: {  	_ =	shalt  }
0x55: {  	_ =	shalt  }
0x56: {  	_ =	shalt  }
0x57: {  	_ =	shalt  }
0x58: {  	_ =	shalt  }
0x59: {  	_ =	shalt  }
0x5a: {  	_ =	shalt  }
0x5b: {  	_ =	shalt  }
0x5c: {  	_ =	shalt  }
0x5d: {  	_ =	shalt  }
0x5e: {  	_ =	shalt  }
0x5f: {  	_ =	shalt  }
0x60: {  	_ =	shalt  }
0x61: {  	_ =	shalt  }
0x62: {  	_ =	shalt  }
0x63: {  	_ =	shalt  }
0x64: {  	_ =	shalt  }
0x65: {  	_ =	shalt  }
0x66: {  	_ =	shalt  }
0x67: {  	_ =	shalt  }
0x68: {  	_ =	shalt  }
0x69: {  	_ =	shalt  }
0x6a: {  	_ =	shalt  }
0x6b: {  	_ =	shalt  }
0x6c: {  	_ =	shalt  }
0x6d: {  	_ =	shalt  }
0x6e: {  	_ =	shalt  }
0x6f: {  	_ =	shalt  }
0x70: {  	_ =	shalt  }
0x71: {  	_ =	shalt  }
0x72: {  	_ =	shalt  }
0x73: {  	_ =	shalt  }
0x74: {  	_ =	shalt  }
0x75: {  	_ =	shalt  }
0x76: {  	_ =	shalt  }
0x77: {  	_ =	shalt  }
0x78: {  	_ =	shalt  }
0x79: {  	_ =	shalt  }
0x7a: {  	_ =	shalt  }
0x7b: {  	_ =	shalt  }
0x7c: {  	_ =	shalt  }
0x7d: {  	_ =	shalt  }
0x7e: {  	_ =	shalt  }
0x7f: {  	_ =	shalt  }
0x80: {  	_ =	shalt  }
0x81: {  	_ =	shalt  }
0x82: {  	_ =	shalt  }
0x83: {  	_ =	shalt  }
0x84: {  	_ =	shalt  }
0x85: {  	_ =	shalt  }
0x86: {  	_ =	shalt  }
0x87: {  	_ =	shalt  }
.Lfunc_end0:
.L_simem_size_0:
called_computation_lowered:
.L_overlay_start_0:
0x88: {  	s2 =	sld [smem:$0x3FD9]  }
0x89: {  	s3 =	sld [smem:$0x3FFE];
	_ =	sdelay $0x1  }
0x8a: {  	s1 =	srdreg.scid  }
0x8b: {  	s0 =	sand.u32 $0x1, s1  }
0x8c: {  	s15 =	sshll.u32 s0, $0xA;
	s2 =	sadd.s32 s3, s2  }
0x8d: {  	s2 =	sadd.s32 s2, s15  }
0x8e: {  	[smem:$0x3FC2] =	sst s2  }
0x8f: {  	_ = 	snop  }
0x90: {  	s2 =	sld [smem:$0x3FD0];
	_ =	sdelay $0x2  }
0x91: {  	s4 =	simm.s32 $0xA;
	s5 =	simm.s32 $0x10;
	s16 =	sld [smem:$0x3FC4]  }
0x92: {  	[smem:s5], [sflag:s4] =	dma.local [hbm:s2], $0x1  }
0x93: {  	_ =	swait.eq [sflag:s4], $0x1  }
0x94: {  	[sflag:s4] =	ssyncset.done $0x0  }
0x95: {  	s17 =	sld [smem:$0x10];
	[sflag:s4] =	ssyncadd.s32 $0xFFFFFFFF  }
0x96: {  	s18 =	sld [smem:$0x11];
	(tm) =	ssettm $0x1  }
0x97: {  	s19 =	sld [smem:$0x3FFB];
	_ =	sdelay $0x3  }
0x98: {  	_ =	strace s19  }
0x99: {  	s5 =	sld [smem:$0x3FFC];
	_ =	sdelay $0x3  }
0x9a: {  	_ =	strace s5  }
0x9b: {  	s5 =	sld [smem:$0x3FFD];
	_ =	sdelay $0x3  }
0x9c: {  	_ =	strace s5  }
0x9d: {  	_ =	strace $0x8FFFFFFF  }
0x9e: {  	s20 =	sld [smem:$0x3FDB];
	_ =	sdelay $0x1  }
0x9f: {  	s6 =	simm.s32 $_scs_section_size  }
0xa0: {  	s7 =	simm.s32 $_size__tile_overlayer_lowered;
	s8 =	simm.s32 $_tile_overlayer_lowered  }
0xa1: {  	s23 =	simm.s32 $0x1BFF;
	s22 =	sshll.u32 s8, $0x1;
	s5 =	sadd.s32 s6, s20  }
0xa2: {  	s9 =	simm.s32 $0x0;
	s21 =	sshll.u32 s7, $0x1;
	s7 =	sadd.s32 s22, s5  }
0xa3: {  	[timem:s9], [sflag:s23] =	dma.local [hbm:s7], s21  }
0xa4: {  	_ =	swait.ge [sflag:s23], s21  }
0xa5: {  	s6 =	ssub.s32 $0x0, s21;
	[sflag:s23] =	ssyncset.done $0x0  }
0xa6: {  	[sflag:s23] =	ssyncadd.s32 s6;
	_ =	sdelay $0x1  }
0xa7: {  	s24 =	simm.s32 $0x1B8B  }
0xa8: {  	_ =	swait.ge [sflag:s24], $0x1  }
0xa9: {  	[sflag:s24] =	ssyncset.done $0x0  }
0xaa: {  	s25 =	simm.s32 $0x1B8E;
	[sflag:s24] =	ssyncadd.s32 $0xFFFFFFFF  }
0xab: {  	s26 =	simm.s32 $execute0_lowered;
	[smem:$0x3FD2] =	sst s25  }
0xac: {  	s6 =	sshll.u32 s26, $0x1;
	_ =	strace $0x80000046;
	[dreg:$0x1] =	wrdreg $0xFFFFFFFF  }
0xad: {  	s28 =	simm.s32 $_size_execute0_lowered;
	s5 =	sadd.s32 s5, s6;
	[dreg:$0x0] =	wrdreg $0x0  }
0xae: {  	s6 =	sshll.u32 s28, $0x1;
	[dreg:$0x2] =	wrdreg s5  }
0xaf: {  	[dreg:$0x3] =	wrdreg s6  }
0xb0: {  	[dreg:$0x4] =	wrdreg $0xC0  }
0xb1: {  	_ =	task [dreg:s9], $0x5FFFF  }
0xb2: {  	[dreg:$0x1] =	wrdreg $0xFFFFFFFF  }
0xb3: {  	[dreg:$0x0] =	wrdreg $0x60  }
0xb4: {  	[dreg:$0x2] =	wrdreg s16  }
0xb5: {  	[dreg:$0x3] =	wrdreg s18  }
0xb6: {  	[dreg:$0x4] =	wrdreg s17  }
0xb7: {  	[dreg:$0x5] =	wrdreg $0x81000  }
0xb8: {  	[dreg:$0x6] =	wrdreg $0x9  }
0xb9: {  	_ =	task.clear_ibuf [dreg:s9], $0x7FFFF;
	_ =	strace $0x90000046  }
0xba: {  	s29 =	simm.s32 $0x9;
	_ =	strace $0x80000048  }
0xbb: {  	_ =	swait.ge [sflag:s29], $0x1  }
0xbc: {  	[sflag:s29] =	ssyncadd.s32 $0xFFFFFFFF  }
0xbd: {  	_ =	strace $0x90000048  }
0xbe: {  	_ =	sfence  }
0xbf: {  	s30 =	sld [smem:$0x0];
	_ =	sdelay $0x2  }
0xc0: {  	s31 =	sshll.u32 s1, $0xD;
	s1 =	sshrl.u32 s1, $0x2  }
0xc1: {  	s3 =	sand.u32 $0x4000, s31;
	s1 =	sadd.s32 s1, s30  }
0xc2: {  	s0 =	sor.u32 s3, s0;
	s1 =	sshll.u32 s1, $0x11  }
0xc3: {  	s0 =	sor.u32 s1, s0  }
0xc4: {  	s0 =	sadd.s32 $0x8F2B, s0  }
0xc5: {  	[sflag:s0] =	ssyncadd.remote.s32 $0x1  }
0xc6: {  	_ =	sfence.sel $0xFFFF  }
0xc7: {  	[dreg:$0x0] =	wrdreg $0xFFFFFFFF;
	(pc) =	sbr.abs _section_cstart, $3  }
0xc8: {  	[dreg:$0x1] =	wrdreg $0xFFFFFFFF  }
0xc9: {  	_ =	task.clear_ibuf [dreg:s9], $0x2FFFF;
	_ =	strace $0x9FFFFFFF  }
0xca: {  	(tm) =	ssettm $0x7FFFFFFF  }
0xcb: {  	_ =	shalt  }
tec
execute0_lowered:
.L_overlay_start_1:
0x0: {  	(tag) =	ssettag $0x1  }
0x1: {  	s5 =	rddreg [dreg:$0x0]  }
0x2: {  	s4 =	rddreg [dreg:$0x1]  }
0x3: {  	s13 =	rddreg [dreg:$0x2]  }
0x4: {  	s2 =	rddreg [dreg:$0x3]  }
0x5: {  	s0 =	rddreg [dreg:$0x4];
	s6 =	srdreg.scid  }
0x6: {  	s3 =	simm.s32 $0x0;
	s1 =	stileid.u32;
	s8 =	simm.s32 $0x8  }
0x7: {  	s9 =	simm.s32 $0x80;
	s10 =	simm.s32 $0x100;
	s11 =	simm.s32 $0x3  }
0x8: {  	s17 =	sand.u32 $0x1, s6;
	[smem:$0x7FF] =	sst s3;
	s29 =	sshll.u32 s1, $0x11  }
0x9: {  	s7 =	sshll.u32 s1, $0x5;
	s15 =	sshll.u32 s1, $0x10;
	s14 =	sshll.u32 s17, $0xA  }
0xa: {  	_ =	strace $0x80000047;
	s4 =	sadd.s32 s4, s7;
	s6 =	sor.u32 s14, s29  }
0xb: {  	[tilespmem:s3], [sflag:$0x1] =	stream.linear.gather [hbm4b:s4+s3], $0x100, $0x38;
	[tilespmem:$0x18100] =	vst v63  }
0xc: {  	s31 =	sshll.u32 s1, $0x6;
	s30 =	sadd.s32 s15, s2;
	s6 =	sshrl.u32 s6, $0x3  }
0xd: {  	s7 =	sshrl.u32 s30, $0x3;
	s5 =	sadd.s32 s5, s6;
	s6 =	sor.u32 $0x1C03, s31  }
0xe: {  	[spmem:s7@s9], [sflag:s6] =	dma.strided [hbm:s5@s10], $0x2000, s8, $0x10   }
0xf: {  	_ =	swait.ge [sflag:s11], $0x2000  }
0x10: {  	[sflag:s11] =	ssyncset.done $0x0  }
0x11: {  	s12 =	simm.s32 $0x1;
	[sflag:s11] =	ssyncadd.s32 $0xFFFFE000  }
0x12: {  	_ =	swait.ge [sflag:s12], $0x100  }
0x13: {  	[sflag:s12] =	ssyncset.done $0x0  }
0x14: {  	[sflag:s12] =	ssyncadd.s32 $0xFFFFFF00  }
0x15: {  	[bflag:$0x0] =	sbarrier.arrive $0xFFFF  }
0x16: {  	[tilespmem:s10], [sflag:$0x1] =	stream.indirect.gather [spmem:s2], $0x80, s3, s9, $0xb8;
	[tilespmem:$0x18100] =	vst v63  }
0x17: {  	s19 =	ssub.s32 $0x2, s17;
	s14 =	sor.u32 s14, s15;
	_ =	swait.ge [sflag:s12], $0x4000  }
0x18: {  	s15 =	simm.s32 $0x800;
	s14 =	sshrl.u32 s14, $0x3;
	[sflag:s12] =	ssyncset.done $0x0  }
0x19: {  	s13 =	sadd.s32 s13, s14;
	s14 =	simm.s32 $0x400;
	[sflag:s12] =	ssyncadd.s32 $0xFFFFC000  }
0x1a: {  	[hbm4b:s13+s14] =	stream.strided.scatter [tilespmem:s10], [sflag:$0x2], $0x4000, s15, s14, $0x38;
	[tilespmem:$0x18100] =	vst v63  }
0x1b: {  	s16 =	simm.s32 $0x4100;
	s20 =	sshrl.u32 s19, $0x1  }
0x1c: {  	[tilespmem:s16], [sflag:$0x1] =	stream.indirect.gather [spmem:s2], $0x80, s9, s9, $0xb8;
	[tilespmem:$0x18100] =	vst v63  }
0x1d: {  	s19 =	ssub.s32 s19, s20;
	_ =	swait.ge [sflag:s12], $0x4000  }
0x1e: {  	s17 =	simm.s32 $0x2;
	s19 =	smax.u32 s19, $0x1;
	[sflag:s12] =	ssyncset.done $0x0  }
0x1f: {  	s18 =	sadd.s32 $0x1000, s13;
	p0 =	sne.s32 s19, $0x1;
	[sflag:s12] =	ssyncadd.s32 $0xFFFFC000  }
0x20: {  	[hbm4b:s18+s14] =	stream.strided.scatter [tilespmem:s16], [sflag:$0x2], $0x4000, s15, s14, $0x38;
	[tilespmem:$0x18100] =	vst v63  }
.Ltmp0:
0x21: {  	_ =	swait.ge [sflag:s17], $0x4000;
	(pc) =	sbr.rel @!p0 .LBB2_2-.Ltmp0, $4  }
0x22: {  	[sflag:s17] =	ssyncset.done $0x0  }
0x23: {  	[sflag:s17] =	ssyncadd.s32 $0xFFFFC000  }
0x24: {  	_ =	swait.ge [sflag:s17], $0x4000  }
0x25: {  	s19 =	sadd.s32 $0xFFFFFFFF, s19;
	[sflag:s17] =	ssyncset.done $0x0  }
.LBB2_1:
0x26: {  	p0 =	sne.s32 s19, $0x1;
	s19 =	sadd.s32 $0xFFFFFFFF, s19;
	[sflag:s17] =	ssyncadd.s32 $0xFFFFC000  }
0x27: {  	[tilespmem:s3], [sflag:$0x1] =	stream.linear.gather [hbm4b:s4+s3], $0x100, $0x38;
	[tilespmem:$0x18100] =	vst v63  }
0x28: {  	[spmem:s7@s9], [sflag:s6] =	dma.strided [hbm:s5@s10], $0x2000, s8, $0x10   }
0x29: {  	_ =	swait.ge [sflag:s11], $0x2000  }
0x2a: {  	[sflag:s11] =	ssyncset.done $0x0  }
0x2b: {  	[sflag:s11] =	ssyncadd.s32 $0xFFFFE000  }
0x2c: {  	_ =	swait.ge [sflag:s12], $0x100  }
0x2d: {  	[sflag:s12] =	ssyncset.done $0x0  }
0x2e: {  	[sflag:s12] =	ssyncadd.s32 $0xFFFFFF00  }
0x2f: {  	[bflag:$0x0] =	sbarrier.arrive $0xFFFF  }
0x30: {  	[tilespmem:s10], [sflag:$0x1] =	stream.indirect.gather [spmem:s2], $0x80, s3, s9, $0xb8;
	[tilespmem:$0x18100] =	vst v63  }
0x31: {  	_ =	swait.ge [sflag:s12], $0x4000  }
0x32: {  	[sflag:s12] =	ssyncset.done $0x0  }
0x33: {  	[sflag:s12] =	ssyncadd.s32 $0xFFFFC000  }
0x34: {  	[hbm4b:s13+s14] =	stream.strided.scatter [tilespmem:s10], [sflag:$0x2], $0x4000, s15, s14, $0x38;
	[tilespmem:$0x18100] =	vst v63  }
0x35: {  	_ = 	snop  }
0x36: {  	[tilespmem:s16], [sflag:$0x1] =	stream.indirect.gather [spmem:s2], $0x80, s9, s9, $0xb8;
	[tilespmem:$0x18100] =	vst v63  }
0x37: {  	_ =	swait.ge [sflag:s12], $0x4000  }
0x38: {  	[sflag:s12] =	ssyncset.done $0x0  }
0x39: {  	[sflag:s12] =	ssyncadd.s32 $0xFFFFC000  }
0x3a: {  	[hbm4b:s18+s14] =	stream.strided.scatter [tilespmem:s16], [sflag:$0x2], $0x4000, s15, s14, $0x38;
	[tilespmem:$0x18100] =	vst v63  }
.Ltmp1:
0x3b: {  	_ =	swait.ge [sflag:s17], $0x4000;
	(pc) =	sbr.rel @p0 .LBB2_1-.Ltmp1, $4  }
0x3c: {  	[sflag:s17] =	ssyncset.done $0x0  }
0x3d: {  	[sflag:s17] =	ssyncadd.s32 $0xFFFFC000  }
0x3e: {  	_ =	swait.ge [sflag:s17], $0x4000  }
0x3f: {  	[sflag:s17] =	ssyncset.done $0x0  }
.LBB2_2:
0x40: {  	[sflag:s17] =	ssyncadd.s32 $0xFFFFC000  }
0x41: {  	_ =	sfence.sel $0x180000  }
0x42: {  	[bflag:$0x0] =	sbarrier.arrive $0xFFFF  }
0x43: {  	p0 =	sne.s32 s1, $0x0;
	_ =	strace $0x90000047  }
0x44: {  	s0 =	sadd.s32 @!p0 $0x100000, s0;
	[bflag:$0x2] =	sbarrier.arrive $0xFFFF  }
0x45: {  	[sflag:s0] =	ssyncadd.tile.s32 @!p0 $0x1;
	_ =	shalt  }
.Lfunc_end2:
_tile_overlayer_lowered:
.L_overlay_start_2:
0x46: {  	(tag) =	ssettag $0x2  }
0x47: {  	s0 =	rddreg [dreg:$0x0];
	s2 =	stileid.u32  }
0x48: {  	s1 =	rddreg [dreg:$0x1];
	p0 =	sne.s32 s2, $0x0  }
0x49: {  	s3 =	rddreg [dreg:$0x2];
	[bflag:$0x3] =	sbarrier.arrive $0xFFFF;
	s2 =	simm.s32 @!p0 $0x1C03  }
0x4a: {  	[timem:s3], [sflag:s2] =	dma.local @!p0 [hbm:s0], s1  }
0x4b: {  	s0 =	simm.s32 @!p0 $0x3  }
0x4c: {  	_ =	swait.ge @!p0 [sflag:s0], s1  }
0x4d: {  	s1 =	ssub.s32 @!p0 $0x0, s1;
	[sflag:s0] =	ssyncset.done @!p0 $0x0  }
0x4e: {  	[sflag:s0] =	ssyncadd.s32 @!p0 s1  }
0x4f: {  	[bflag:$0x3] =	sbarrier.arrive $0xFFFF  }
0x50: {  	_ =	shalt  }

</sc_bundles>
